<compile_context>
chip_gen: v7x
topology: tpu7x:2x2x1
jax: 0.10.2.dev20260603
libtpu: 0.0.44.dev20260713+nightly
codegen_flags: <defaults>
</compile_context>

<pallas_src>
import functools

import jax
import jax.numpy as jnp
from jax import lax
from jax.experimental import pallas as pl
from jax.experimental.pallas import tpu as pltpu
from jax.experimental.pallas import tpu_sc as plsc

NSEG = 256
BLK = 8192
NEG_INF = float("-inf")


def _softplus(z):
    return jnp.log1p(jnp.exp(z))


def _stage1_body(nb_ref, x_ref, gft_ref, w1x_ref, w1gt_ref, b1_ref, w2t_ref,
                 b2_ref, s_ref, t_ref, gct_ref, d_ref, m_ref, *, blk, n_rows,
                 grid):
    i = pl.program_id(0)

    @pl.when(i == 0)
    def _init():
        gct_ref[...] = jnp.dot(w1gt_ref[...], gft_ref[...],
                               preferred_element_type=jnp.float32)
        m_ref[0, 0] = NEG_INF
        d_ref[...] = jnp.zeros_like(d_ref)

    nbt = nb_ref[0]
    seg_ids = lax.broadcasted_iota(jnp.int32, (NSEG, 1), 0)
    oht = nbt == seg_ids
    ohtf = oht.astype(jnp.float32)

    zx = jnp.dot(x_ref[...], w1x_ref[...],
                 preferred_element_type=jnp.float32)
    get = jnp.dot(gct_ref[...], ohtf,
                  preferred_element_type=jnp.float32)
    zt = zx.T + get + b1_ref[...]
    ht = _softplus(zt)
    st = jnp.dot(w2t_ref[...], ht,
                 preferred_element_type=jnp.float32) + b2_ref[...]

    cols = i * blk + lax.broadcasted_iota(jnp.int32, (1, blk), 1)
    valid = cols < n_rows

    s_m = jnp.where(valid, st, NEG_INF)
    c = jnp.max(s_m)
    p = jnp.where(valid, jnp.exp(st - c), 0.0)
    bd = jnp.sum(jnp.where(oht, p, 0.0), axis=1, keepdims=True)

    m_old = m_ref[0, 0]
    m_new = jnp.maximum(m_old, c)
    scale_old = jnp.exp(m_old - m_new)
    scale_blk = jnp.exp(c - m_new)
    d_new = d_ref[...] * scale_old + bd * scale_blk
    d_ref[...] = d_new
    m_ref[0, 0] = m_new
    s_ref[0] = p * jnp.exp(c)

    @pl.when(i == grid - 1)
    def _fin():
        t_ref[...] = jnp.exp(-m_new) / (d_new + 1e-16)


def _run_stage1(nb3, x, gft, w1x, w1gt, b1c, w2t, b2, n_pad):
    n = x.shape[0]
    grid = n_pad // BLK
    return pl.pallas_call(
        functools.partial(_stage1_body, blk=BLK, n_rows=n, grid=grid),
        grid=(grid,),
        in_specs=[
            pl.BlockSpec((1, 1, BLK), lambda i: (i, 0, 0)),
            pl.BlockSpec((BLK, x.shape[1]), lambda i: (i, 0)),
            pl.BlockSpec(gft.shape, lambda i: (0, 0)),
            pl.BlockSpec(w1x.shape, lambda i: (0, 0)),
            pl.BlockSpec(w1gt.shape, lambda i: (0, 0)),
            pl.BlockSpec(b1c.shape, lambda i: (0, 0)),
            pl.BlockSpec(w2t.shape, lambda i: (0, 0)),
            pl.BlockSpec(b2.shape, lambda i: (0, 0)),
        ],
        out_specs=[
            pl.BlockSpec((1, 1, BLK), lambda i: (i, 0, 0)),
            pl.BlockSpec((NSEG, 1), lambda i: (0, 0)),
        ],
        out_shape=[
            jax.ShapeDtypeStruct((grid, 1, BLK), jnp.float32),
            jax.ShapeDtypeStruct((NSEG, 1), jnp.float32),
        ],
        scratch_shapes=[
            pltpu.VMEM((w1gt.shape[0], NSEG), jnp.float32),
            pltpu.VMEM((NSEG, 1), jnp.float32),
            pltpu.SMEM((1, 1), jnp.float32),
        ],
    )(nb3, x, gft, w1x, w1gt, b1c, w2t, b2)


def _run_stage2_sc(s1, nb1, t1, n_pad):
    info = plsc.get_sparse_core_info()
    nc, ns = info.num_cores, info.num_subcores
    nw = nc * ns
    ch = n_pad // nw
    unroll = 8
    mesh = plsc.VectorSubcoreMesh(core_axis_name="c", subcore_axis_name="s")

    @functools.partial(
        pl.kernel,
        mesh=mesh,
        compiler_params=pltpu.CompilerParams(needs_layout_passes=False),
        out_type=jax.ShapeDtypeStruct((n_pad,), jnp.float32),
        scratch_types=[
            pltpu.VMEM((ch,), jnp.float32),
            pltpu.VMEM((ch,), jnp.int32),
            pltpu.VMEM((ch,), jnp.float32),
            pltpu.VMEM((NSEG,), jnp.float32),
            pltpu.SemaphoreType.DMA,
        ],
    )
    def _k(s_hbm, nb_hbm, t_hbm, out_hbm, s_v, nb_v, w_v, t_v, sem):
        wid = lax.axis_index("s") * nc + lax.axis_index("c")
        base = wid * ch
        c1 = pltpu.async_copy(s_hbm.at[pl.ds(base, ch)], s_v, sem)
        c2 = pltpu.async_copy(nb_hbm.at[pl.ds(base, ch)], nb_v, sem)
        c3 = pltpu.async_copy(t_hbm, t_v, sem)
        c1.wait()
        c2.wait()
        c3.wait()

        def body(j, carry):
            for u in range(unroll):
                sl = pl.ds(j * (16 * unroll) + u * 16, 16)
                tg = plsc.load_gather(t_v, [nb_v[sl]])
                w_v[sl] = s_v[sl] * tg
            return carry

        lax.fori_loop(0, ch // (16 * unroll), body, 0)
        pltpu.sync_copy(w_v, out_hbm.at[pl.ds(base, ch)])

    return _k(s1, nb1, t1)


def kernel(x, node_batch, global_fea, W1, b1, W2, b2):
    n, feat = x.shape
    n_pad = ((n + BLK - 1) // BLK) * BLK
    nb = node_batch.astype(jnp.int32)
    nb_pad = jnp.pad(nb, (0, n_pad - n))
    nb3 = nb_pad.reshape(n_pad // BLK, 1, BLK)
    w1x = W1[:feat]
    w1gt = W1[feat:].T
    gft = global_fea.T
    b1c = b1.reshape(-1, 1)
    w2t = W2.T
    b2r = b2.reshape(1, 1)
    s, t = _run_stage1(nb3, x, gft, w1x, w1gt, b1c, w2t, b2r, n_pad)
    w = _run_stage2_sc(s.reshape(n_pad), nb_pad, t.reshape(NSEG), n_pad)
    return w[:n].reshape(n, 1)

# --- scband reference (transcript-rebuilt; emitter-appended) ---
"""Pipeline reference for scband-composition-attention-53541062312244 (READ-ONLY COPY).

The authoritative reference and input builder live on the scoring server;
editing this copy changes nothing except your own understanding.
"""

import jax, jax.numpy as jnp
import numpy as np

N = 100000
B = 256
NEURONS = 128
GLOBAL_DIM = 103
HIDDEN = 32

def setup_inputs(seed: int = 0) -> dict:
    key = jax.random.key(seed)
    k1, k2, k3, k4, k5 = jax.random.split(key, 5)
    x = jax.random.normal(k1, (N, NEURONS), dtype=jnp.float32)
    node_batch = jnp.sort(jax.random.randint(k2, (N,), 0, B))
    global_fea = jax.random.normal(k3, (B, GLOBAL_DIM), dtype=jnp.float32)
    W1 = jax.random.normal(k4, (NEURONS + GLOBAL_DIM, HIDDEN), dtype=jnp.float32) * 0.05
    b1 = jnp.zeros((HIDDEN,), dtype=jnp.float32)
    W2 = jax.random.normal(k5, (HIDDEN, 1), dtype=jnp.float32) * 0.05
    b2 = jnp.zeros((1,), dtype=jnp.float32)
    return {"x": x, "node_batch": node_batch, "global_fea": global_fea, "W1": W1, "b1": b1, "W2": W2, "b2": b2}

def reference(x, node_batch, global_fea, W1, b1, W2, b2):
    # repeat_interleave(global_fea, counts) with sorted node_batch == gather by segment id
    graph_embed = jnp.take(global_fea, node_batch, axis=0)
    chunk = jnp.concatenate([x, graph_embed], axis=-1)
    h = jax.nn.softplus(chunk @ W1 + b1)
    s = h @ W2 + b2  # [N, 1]
    # segment softmax over node_batch
    seg_max = jax.ops.segment_max(s, node_batch, num_segments=B)
    seg_max = jnp.where(jnp.isfinite(seg_max), seg_max, 0.0)
    s_exp = jnp.exp(s - jax.lax.stop_gradient(seg_max)[node_batch])
    seg_sum = jax.ops.segment_sum(s_exp, node_batch, num_segments=B)
    weights = s_exp / (seg_sum[node_batch] + 1e-16)
    return weights

if __name__ == "__main__":
    import jax
    _d = setup_inputs()
    print(jax.jit(kernel)(*tuple(_d.values())))

</pallas_src>

<mosaic_0001>
#map = affine_map<(d0, d1) -> (0)>
module attributes {stable_mosaic.version = 14 : i64} {
  func.func @_k(%arg0: i32, %arg1: i32, %arg2: memref<106496xf32, #tpu.memory_space<hbm>>, %arg3: memref<106496xi32, #tpu.memory_space<hbm>>, %arg4: memref<256xf32, #tpu.memory_space<hbm>>, %arg5: memref<106496xf32, #tpu.memory_space<hbm>>, %arg6: memref<3328xf32, #tpu.memory_space<vmem>>, %arg7: memref<3328xi32, #tpu.memory_space<vmem>>, %arg8: memref<3328xf32, #tpu.memory_space<vmem>>, %arg9: memref<256xf32, #tpu.memory_space<vmem>>, %arg10: memref<!tpu.dma_semaphore, #tpu.memory_space<semaphore_mem>>) attributes {dimension_semantics = [#tpu.dimension_semantics<core_parallel>, #tpu.dimension_semantics<subcore_parallel>], iteration_bounds = array<i64: 2, 16>, scalar_prefetch = 0 : i64, scratch_operands = 5 : i64, tpu.core_type = #tpu.core_type<sc_vector_subcore>, window_params = [{transform_indices = #map}, {transform_indices = #map}, {transform_indices = #map}, {transform_indices = #map}]} {
    %mul3A = arith.constant 2 : i32
    %mul3A_0 = arith.muli %arg1, %mul3A : i32
    %add3A = arith.addi %mul3A_0, %arg0 : i32
    %mul3A_1 = arith.constant 3328 : i32
    %mul3A_2 = arith.muli %add3A, %mul3A_1 : i32
    %dma_start3A = tpu.memref_slice %arg2[%mul3A_2] : memref<106496xf32, #tpu.memory_space<hbm>> -> memref<3328xf32, #tpu.memory_space<hbm>>
    %dma_start3A_3 = tpu.memref_slice %arg2[%mul3A_2] : memref<106496xf32, #tpu.memory_space<hbm>> -> memref<3328xf32, #tpu.memory_space<hbm>>
    tpu.enqueue_dma source(%dma_start3A_3 : memref<3328xf32, #tpu.memory_space<hbm>>) target(%arg6 : memref<3328xf32, #tpu.memory_space<vmem>>) target_semaphore(%arg10 : memref<!tpu.dma_semaphore, #tpu.memory_space<semaphore_mem>>)
    %dma_start3A_4 = tpu.memref_slice %arg3[%mul3A_2] : memref<106496xi32, #tpu.memory_space<hbm>> -> memref<3328xi32, #tpu.memory_space<hbm>>
    %dma_start3A_5 = tpu.memref_slice %arg3[%mul3A_2] : memref<106496xi32, #tpu.memory_space<hbm>> -> memref<3328xi32, #tpu.memory_space<hbm>>
    tpu.enqueue_dma source(%dma_start3A_5 : memref<3328xi32, #tpu.memory_space<hbm>>) target(%arg7 : memref<3328xi32, #tpu.memory_space<vmem>>) target_semaphore(%arg10 : memref<!tpu.dma_semaphore, #tpu.memory_space<semaphore_mem>>)
    tpu.enqueue_dma source(%arg4 : memref<256xf32, #tpu.memory_space<hbm>>) target(%arg9 : memref<256xf32, #tpu.memory_space<vmem>>) target_semaphore(%arg10 : memref<!tpu.dma_semaphore, #tpu.memory_space<semaphore_mem>>)
    %dma_wait3A = tpu.memref_slice %arg2[%mul3A_2] : memref<106496xf32, #tpu.memory_space<hbm>> -> memref<3328xf32, #tpu.memory_space<hbm>>
    %dma_wait3A_6 = tpu.memref_slice %arg2[%mul3A_2] : memref<106496xf32, #tpu.memory_space<hbm>> -> memref<3328xf32, #tpu.memory_space<hbm>>
    tpu.wait_dma2 semaphore(%arg10 : memref<!tpu.dma_semaphore, #tpu.memory_space<semaphore_mem>>) src(%dma_wait3A_6 : memref<3328xf32, #tpu.memory_space<hbm>>) dst(%arg6 : memref<3328xf32, #tpu.memory_space<vmem>>)
    %dma_wait3A_7 = tpu.memref_slice %arg3[%mul3A_2] : memref<106496xi32, #tpu.memory_space<hbm>> -> memref<3328xi32, #tpu.memory_space<hbm>>
    %dma_wait3A_8 = tpu.memref_slice %arg3[%mul3A_2] : memref<106496xi32, #tpu.memory_space<hbm>> -> memref<3328xi32, #tpu.memory_space<hbm>>
    tpu.wait_dma2 semaphore(%arg10 : memref<!tpu.dma_semaphore, #tpu.memory_space<semaphore_mem>>) src(%dma_wait3A_8 : memref<3328xi32, #tpu.memory_space<hbm>>) dst(%arg7 : memref<3328xi32, #tpu.memory_space<vmem>>)
    tpu.wait_dma2 semaphore(%arg10 : memref<!tpu.dma_semaphore, #tpu.memory_space<semaphore_mem>>) src(%arg4 : memref<256xf32, #tpu.memory_space<hbm>>) dst(%arg9 : memref<256xf32, #tpu.memory_space<vmem>>)
    %scan3A = arith.constant 0 : i32
    %scan3A_9 = arith.constant 0 : i32
    %scan3A_10 = arith.constant 26 : i32
    %scan3A_11 = arith.addi %scan3A_9, %scan3A_10 : i32
    %scan3A_12 = arith.constant 1 : i32
    scf.for %scan3A_14 = %scan3A_9 to %scan3A_11 step %scan3A_12  : i32 {
      %mul3A_15 = arith.constant 128 : i32
      %mul3A_16 = arith.muli %scan3A_14, %mul3A_15 : i32
      %add3A_17 = arith.constant 0 : i32
      %add3A_18 = arith.addi %mul3A_16, %add3A_17 : i32
      %get3A = arith.index_cast %add3A_18 : i32 to index
      %get3A_19 = tpu.vector_load %arg7[%get3A] {strides = array<i32>} : memref<3328xi32, #tpu.memory_space<vmem>>, vector<16xi32>,
      %gather3A = tpu.vector_load_idx %arg9[%get3A_19] : memref<256xf32, #tpu.memory_space<vmem>>[vector<16xi32>], vector<16xf32>,
      %get3A_20 = arith.index_cast %add3A_18 : i32 to index
      %get3A_21 = tpu.vector_load %arg6[%get3A_20] {strides = array<i32>} : memref<3328xf32, #tpu.memory_space<vmem>>, vector<16xf32>,
      %mul3A_22 = arith.mulf %get3A_21, %gather3A : vector<16xf32>
      %swap3A = arith.index_cast %add3A_18 : i32 to index
      %swap3A_23 = tpu.vector_load %arg8[%swap3A] {strides = array<i32>} : memref<3328xf32, #tpu.memory_space<vmem>>, vector<16xf32>,
      tpu.vector_store %arg8[%swap3A], %mul3A_22 {strides = array<i32>} : memref<3328xf32, #tpu.memory_space<vmem>>, vector<16xf32>,
      %mul3A_24 = arith.constant 128 : i32
      %mul3A_25 = arith.muli %scan3A_14, %mul3A_24 : i32
      %add3A_26 = arith.constant 16 : i32
      %add3A_27 = arith.addi %mul3A_25, %add3A_26 : i32
      %get3A_28 = arith.index_cast %add3A_27 : i32 to index
      %get3A_29 = tpu.vector_load %arg7[%get3A_28] {strides = array<i32>} : memref<3328xi32, #tpu.memory_space<vmem>>, vector<16xi32>,
      %gather3A_30 = tpu.vector_load_idx %arg9[%get3A_29] : memref<256xf32, #tpu.memory_space<vmem>>[vector<16xi32>], vector<16xf32>,
      %get3A_31 = arith.index_cast %add3A_27 : i32 to index
      %get3A_32 = tpu.vector_load %arg6[%get3A_31] {strides = array<i32>} : memref<3328xf32, #tpu.memory_space<vmem>>, vector<16xf32>,
      %mul3A_33 = arith.mulf %get3A_32, %gather3A_30 : vector<16xf32>
      %swap3A_34 = arith.index_cast %add3A_27 : i32 to index
      %swap3A_35 = tpu.vector_load %arg8[%swap3A_34] {strides = array<i32>} : memref<3328xf32, #tpu.memory_space<vmem>>, vector<16xf32>,
      tpu.vector_store %arg8[%swap3A_34], %mul3A_33 {strides = array<i32>} : memref<3328xf32, #tpu.memory_space<vmem>>, vector<16xf32>,
      %mul3A_36 = arith.constant 128 : i32
      %mul3A_37 = arith.muli %scan3A_14, %mul3A_36 : i32
      %add3A_38 = arith.constant 32 : i32
      %add3A_39 = arith.addi %mul3A_37, %add3A_38 : i32
      %get3A_40 = arith.index_cast %add3A_39 : i32 to index
      %get3A_41 = tpu.vector_load %arg7[%get3A_40] {strides = array<i32>} : memref<3328xi32, #tpu.memory_space<vmem>>, vector<16xi32>,
      %gather3A_42 = tpu.vector_load_idx %arg9[%get3A_41] : memref<256xf32, #tpu.memory_space<vmem>>[vector<16xi32>], vector<16xf32>,
      %get3A_43 = arith.index_cast %add3A_39 : i32 to index
      %get3A_44 = tpu.vector_load %arg6[%get3A_43] {strides = array<i32>} : memref<3328xf32, #tpu.memory_space<vmem>>, vector<16xf32>,
      %mul3A_45 = arith.mulf %get3A_44, %gather3A_42 : vector<16xf32>
      %swap3A_46 = arith.index_cast %add3A_39 : i32 to index
      %swap3A_47 = tpu.vector_load %arg8[%swap3A_46] {strides = array<i32>} : memref<3328xf32, #tpu.memory_space<vmem>>, vector<16xf32>,
      tpu.vector_store %arg8[%swap3A_46], %mul3A_45 {strides = array<i32>} : memref<3328xf32, #tpu.memory_space<vmem>>, vector<16xf32>,
      %mul3A_48 = arith.constant 128 : i32
      %mul3A_49 = arith.muli %scan3A_14, %mul3A_48 : i32
      %add3A_50 = arith.constant 48 : i32
      %add3A_51 = arith.addi %mul3A_49, %add3A_50 : i32
      %get3A_52 = arith.index_cast %add3A_51 : i32 to index
      %get3A_53 = tpu.vector_load %arg7[%get3A_52] {strides = array<i32>} : memref<3328xi32, #tpu.memory_space<vmem>>, vector<16xi32>,
      %gather3A_54 = tpu.vector_load_idx %arg9[%get3A_53] : memref<256xf32, #tpu.memory_space<vmem>>[vector<16xi32>], vector<16xf32>,
      %get3A_55 = arith.index_cast %add3A_51 : i32 to index
      %get3A_56 = tpu.vector_load %arg6[%get3A_55] {strides = array<i32>} : memref<3328xf32, #tpu.memory_space<vmem>>, vector<16xf32>,
      %mul3A_57 = arith.mulf %get3A_56, %gather3A_54 : vector<16xf32>
      %swap3A_58 = arith.index_cast %add3A_51 : i32 to index
      %swap3A_59 = tpu.vector_load %arg8[%swap3A_58] {strides = array<i32>} : memref<3328xf32, #tpu.memory_space<vmem>>, vector<16xf32>,
      tpu.vector_store %arg8[%swap3A_58], %mul3A_57 {strides = array<i32>} : memref<3328xf32, #tpu.memory_space<vmem>>, vector<16xf32>,
      %mul3A_60 = arith.constant 128 : i32
      %mul3A_61 = arith.muli %scan3A_14, %mul3A_60 : i32
      %add3A_62 = arith.constant 64 : i32
      %add3A_63 = arith.addi %mul3A_61, %add3A_62 : i32
      %get3A_64 = arith.index_cast %add3A_63 : i32 to index
      %get3A_65 = tpu.vector_load %arg7[%get3A_64] {strides = array<i32>} : memref<3328xi32, #tpu.memory_space<vmem>>, vector<16xi32>,
      %gather3A_66 = tpu.vector_load_idx %arg9[%get3A_65] : memref<256xf32, #tpu.memory_space<vmem>>[vector<16xi32>], vector<16xf32>,
      %get3A_67 = arith.index_cast %add3A_63 : i32 to index
      %get3A_68 = tpu.vector_load %arg6[%get3A_67] {strides = array<i32>} : memref<3328xf32, #tpu.memory_space<vmem>>, vector<16xf32>,
      %mul3A_69 = arith.mulf %get3A_68, %gather3A_66 : vector<16xf32>
      %swap3A_70 = arith.index_cast %add3A_63 : i32 to index
      %swap3A_71 = tpu.vector_load %arg8[%swap3A_70] {strides = array<i32>} : memref<3328xf32, #tpu.memory_space<vmem>>, vector<16xf32>,
      tpu.vector_store %arg8[%swap3A_70], %mul3A_69 {strides = array<i32>} : memref<3328xf32, #tpu.memory_space<vmem>>, vector<16xf32>,
      %mul3A_72 = arith.constant 128 : i32
      %mul3A_73 = arith.muli %scan3A_14, %mul3A_72 : i32
      %add3A_74 = arith.constant 80 : i32
      %add3A_75 = arith.addi %mul3A_73, %add3A_74 : i32
      %get3A_76 = arith.index_cast %add3A_75 : i32 to index
      %get3A_77 = tpu.vector_load %arg7[%get3A_76] {strides = array<i32>} : memref<3328xi32, #tpu.memory_space<vmem>>, vector<16xi32>,
      %gather3A_78 = tpu.vector_load_idx %arg9[%get3A_77] : memref<256xf32, #tpu.memory_space<vmem>>[vector<16xi32>], vector<16xf32>,
      %get3A_79 = arith.index_cast %add3A_75 : i32 to index
      %get3A_80 = tpu.vector_load %arg6[%get3A_79] {strides = array<i32>} : memref<3328xf32, #tpu.memory_space<vmem>>, vector<16xf32>,
      %mul3A_81 = arith.mulf %get3A_80, %gather3A_78 : vector<16xf32>
      %swap3A_82 = arith.index_cast %add3A_75 : i32 to index
      %swap3A_83 = tpu.vector_load %arg8[%swap3A_82] {strides = array<i32>} : memref<3328xf32, #tpu.memory_space<vmem>>, vector<16xf32>,
      tpu.vector_store %arg8[%swap3A_82], %mul3A_81 {strides = array<i32>} : memref<3328xf32, #tpu.memory_space<vmem>>, vector<16xf32>,
      %mul3A_84 = arith.constant 128 : i32
      %mul3A_85 = arith.muli %scan3A_14, %mul3A_84 : i32
      %add3A_86 = arith.constant 96 : i32
      %add3A_87 = arith.addi %mul3A_85, %add3A_86 : i32
      %get3A_88 = arith.index_cast %add3A_87 : i32 to index
      %get3A_89 = tpu.vector_load %arg7[%get3A_88] {strides = array<i32>} : memref<3328xi32, #tpu.memory_space<vmem>>, vector<16xi32>,
      %gather3A_90 = tpu.vector_load_idx %arg9[%get3A_89] : memref<256xf32, #tpu.memory_space<vmem>>[vector<16xi32>], vector<16xf32>,
      %get3A_91 = arith.index_cast %add3A_87 : i32 to index
      %get3A_92 = tpu.vector_load %arg6[%get3A_91] {strides = array<i32>} : memref<3328xf32, #tpu.memory_space<vmem>>, vector<16xf32>,
      %mul3A_93 = arith.mulf %get3A_92, %gather3A_90 : vector<16xf32>
      %swap3A_94 = arith.index_cast %add3A_87 : i32 to index
      %swap3A_95 = tpu.vector_load %arg8[%swap3A_94] {strides = array<i32>} : memref<3328xf32, #tpu.memory_space<vmem>>, vector<16xf32>,
      tpu.vector_store %arg8[%swap3A_94], %mul3A_93 {strides = array<i32>} : memref<3328xf32, #tpu.memory_space<vmem>>, vector<16xf32>,
      %mul3A_96 = arith.constant 128 : i32
      %mul3A_97 = arith.muli %scan3A_14, %mul3A_96 : i32
      %add3A_98 = arith.constant 112 : i32
      %add3A_99 = arith.addi %mul3A_97, %add3A_98 : i32
      %get3A_100 = arith.index_cast %add3A_99 : i32 to index
      %get3A_101 = tpu.vector_load %arg7[%get3A_100] {strides = array<i32>} : memref<3328xi32, #tpu.memory_space<vmem>>, vector<16xi32>,
      %gather3A_102 = tpu.vector_load_idx %arg9[%get3A_101] : memref<256xf32, #tpu.memory_space<vmem>>[vector<16xi32>], vector<16xf32>,
      %get3A_103 = arith.index_cast %add3A_99 : i32 to index
      %get3A_104 = tpu.vector_load %arg6[%get3A_103] {strides = array<i32>} : memref<3328xf32, #tpu.memory_space<vmem>>, vector<16xf32>,
      %mul3A_105 = arith.mulf %get3A_104, %gather3A_102 : vector<16xf32>
      %swap3A_106 = arith.index_cast %add3A_99 : i32 to index
      %swap3A_107 = tpu.vector_load %arg8[%swap3A_106] {strides = array<i32>} : memref<3328xf32, #tpu.memory_space<vmem>>, vector<16xf32>,
      tpu.vector_store %arg8[%swap3A_106], %mul3A_105 {strides = array<i32>} : memref<3328xf32, #tpu.memory_space<vmem>>, vector<16xf32>,
    }
    %scan3A_13 = arith.constant 26 : i32
    "tpu.region"() ({
      %run_scoped3A = tpu.sem_alloc : memref<!tpu.dma_semaphore, #tpu.memory_space<semaphore_mem>>
      %dma_start3A_14 = tpu.memref_slice %arg5[%mul3A_2] : memref<106496xf32, #tpu.memory_space<hbm>> -> memref<3328xf32, #tpu.memory_space<hbm>>
      %dma_start3A_15 = tpu.memref_slice %arg5[%mul3A_2] : memref<106496xf32, #tpu.memory_space<hbm>> -> memref<3328xf32, #tpu.memory_space<hbm>>
      tpu.enqueue_dma source(%arg8 : memref<3328xf32, #tpu.memory_space<vmem>>) target(%dma_start3A_15 : memref<3328xf32, #tpu.memory_space<hbm>>) target_semaphore(%run_scoped3A : memref<!tpu.dma_semaphore, #tpu.memory_space<semaphore_mem>>)
      %dma_wait3A_16 = tpu.memref_slice %arg5[%mul3A_2] : memref<106496xf32, #tpu.memory_space<hbm>> -> memref<3328xf32, #tpu.memory_space<hbm>>
      %dma_wait3A_17 = tpu.memref_slice %arg5[%mul3A_2] : memref<106496xf32, #tpu.memory_space<hbm>> -> memref<3328xf32, #tpu.memory_space<hbm>>
      tpu.wait_dma2 semaphore(%run_scoped3A : memref<!tpu.dma_semaphore, #tpu.memory_space<semaphore_mem>>) src(%arg8 : memref<3328xf32, #tpu.memory_space<vmem>>) dst(%dma_wait3A_17 : memref<3328xf32, #tpu.memory_space<hbm>>)
      tpu.yield
    }) : () -> ()
    return
  }
}

module attributes {stable_mosaic.version = 14 : i64} {
  func.func @_stage1_body(%arg0: i32, %arg1: memref<1x1x8192xi32, #tpu.memory_space<vmem>>, %arg2: memref<8192x128xf32, #tpu.memory_space<vmem>>, %arg3: memref<103x256xf32, #tpu.memory_space<vmem>>, %arg4: memref<128x32xf32, #tpu.memory_space<vmem>>, %arg5: memref<32x103xf32, #tpu.memory_space<vmem>>, %arg6: memref<32x1xf32, #tpu.memory_space<vmem>>, %arg7: memref<1x32xf32, #tpu.memory_space<vmem>>, %arg8: memref<1x1xf32, #tpu.memory_space<vmem>>, %arg9: memref<1x1x8192xf32, #tpu.memory_space<vmem>>, %arg10: memref<256x1xf32, #tpu.memory_space<vmem>>, %arg11: memref<32x256xf32, #tpu.memory_space<vmem>>, %arg12: memref<256x1xf32, #tpu.memory_space<vmem>>, %arg13: memref<1x1xf32, #tpu.memory_space<smem>>) attributes {dimension_semantics = [#tpu.dimension_semantics<arbitrary>], iteration_bounds = array<i64: 13>, scalar_prefetch = 0 : i64, scratch_operands = 3 : i64, tpu.core_type = #tpu.core_type<tc>, window_params = [{transform_indices = @transform_0, window_bounds = array<i64: 1, 1, 8192>}, {transform_indices = @transform_1, window_bounds = array<i64: 8192, 128>}, {pipeline_mode = #tpu.pipeline_mode<synchronous>, transform_indices = @transform_2, window_bounds = array<i64: 103, 256>}, {pipeline_mode = #tpu.pipeline_mode<synchronous>, transform_indices = @transform_3, window_bounds = array<i64: 128, 32>}, {pipeline_mode = #tpu.pipeline_mode<synchronous>, transform_indices = @transform_4, window_bounds = array<i64: 32, 103>}, {pipeline_mode = #tpu.pipeline_mode<synchronous>, transform_indices = @transform_5, window_bounds = array<i64: 32, 1>}, {pipeline_mode = #tpu.pipeline_mode<synchronous>, transform_indices = @transform_6, window_bounds = array<i64: 1, 32>}, {pipeline_mode = #tpu.pipeline_mode<synchronous>, transform_indices = @transform_7, window_bounds = array<i64: 1, 1>}, {transform_indices = @transform_8, window_bounds = array<i64: 1, 1, 8192>}, {pipeline_mode = #tpu.pipeline_mode<synchronous>, transform_indices = @transform_9, window_bounds = array<i64: 256, 1>}]} {
    %eq3A = arith.constant 0 : i32
    %eq3A_0 = arith.cmpi eq, %arg0, %eq3A : i32
    %convert_element_type3A = arith.extui %eq3A_0 : i1 to i32
    %cond3A = arith.constant 0 : i32
    %cond3A_1 = arith.cmpi ne, %convert_element_type3A, %cond3A : i32
    scf.if %cond3A_1 {
      %get3A_94 = arith.constant 0 : index
      %get3A_95 = arith.constant 0 : index
      %get3A_96 = vector.load %arg5[%get3A_94, %get3A_95] : memref<32x103xf32, #tpu.memory_space<vmem>>, vector<32x103xf32>
      %get3A_97 = arith.constant 0 : index
      %get3A_98 = arith.constant 0 : index
      %get3A_99 = vector.load %arg3[%get3A_97, %get3A_98] : memref<103x256xf32, #tpu.memory_space<vmem>>, vector<103x256xf32>
      %dot_general3A_100 = arith.constant dense<0.000000e+00> : vector<32x256xf32>
      %dot_general3A_101 = tpu.matmul %get3A_96, %get3A_99, %dot_general3A_100 {dimension_numbers = #tpu.dot_dimension_numbers<[1], [0], [0], [1], [0, 0, 1, 1], [], []>, transpose_lhs_hint = false} : vector<32x103xf32>, vector<103x256xf32>, vector<32x256xf32> -> vector<32x256xf32>
      %swap3A_102 = arith.constant 0 : index
      %swap3A_103 = arith.constant 0 : index
      %swap3A_104 = vector.load %arg11[%swap3A_102, %swap3A_103] : memref<32x256xf32, #tpu.memory_space<vmem>>, vector<32x256xf32>
      tpu.vector_store %arg11[%swap3A_102, %swap3A_103], %dot_general3A_101 {strides = array<i32>} : memref<32x256xf32, #tpu.memory_space<vmem>>, vector<32x256xf32>,
      %swap3A_105 = arith.constant 0xFF800000 : f32
      %swap3A_106 = arith.constant 0 : index
      %swap3A_107 = arith.constant 0 : index
      %swap3A_108 = memref.load %arg13[%swap3A_106, %swap3A_107] : memref<1x1xf32, #tpu.memory_space<smem>>
      memref.store %swap3A_105, %arg13[%swap3A_106, %swap3A_107] : memref<1x1xf32, #tpu.memory_space<smem>>
      %broadcast_in_dim3A_109 = arith.constant 0.000000e+00 : f32
      %broadcast_in_dim3A_110 = vector.broadcast %broadcast_in_dim3A_109 : f32 to vector<256x1xf32>
      %swap3A_111 = arith.constant 0 : index
      %swap3A_112 = arith.constant 0 : index
      %swap3A_113 = vector.load %arg12[%swap3A_111, %swap3A_112] : memref<256x1xf32, #tpu.memory_space<vmem>>, vector<256x1xf32>
      tpu.vector_store %arg12[%swap3A_111, %swap3A_112], %broadcast_in_dim3A_110 {strides = array<i32>} : memref<256x1xf32, #tpu.memory_space<vmem>>, vector<256x1xf32>,
    } else {
    }
    %get3A = arith.constant 0 : index
    %get3A_2 = arith.constant 0 : index
    %get3A_3 = arith.constant 0 : index
    %get3A_4 = vector.load %arg1[%get3A, %get3A_2, %get3A_3] : memref<1x1x8192xi32, #tpu.memory_space<vmem>>, vector<1x1x8192xi32>
    %get3A_5 = vector.shape_cast %get3A_4 : vector<1x1x8192xi32> to vector<1x8192xi32>
    %iota3A = tpu.iota {dimensions = array<i32: 0>} : vector<256x1xi32>
    %eq3A_6 = vector.broadcast %get3A_5 : vector<1x8192xi32> to vector<256x8192xi32>
    %eq3A_7 = vector.broadcast %iota3A : vector<256x1xi32> to vector<256x8192xi32>
    %eq3A_8 = arith.cmpi eq, %eq3A_6, %eq3A_7 : vector<256x8192xi32>
    %convert_element_type3A_9 = arith.extui %eq3A_8 : vector<256x8192xi1> to vector<256x8192xi32>
    %convert_element_type3A_10 = arith.sitofp %convert_element_type3A_9 : vector<256x8192xi32> to vector<256x8192xf32>
    %get3A_11 = arith.constant 0 : index
    %get3A_12 = arith.constant 0 : index
    %get3A_13 = vector.load %arg2[%get3A_11, %get3A_12] : memref<8192x128xf32, #tpu.memory_space<vmem>>, vector<8192x128xf32>
    %get3A_14 = arith.constant 0 : index
    %get3A_15 = arith.constant 0 : index
    %get3A_16 = vector.load %arg4[%get3A_14, %get3A_15] : memref<128x32xf32, #tpu.memory_space<vmem>>, vector<128x32xf32>
    %dot_general3A = arith.constant dense<0.000000e+00> : vector<8192x32xf32>
    %dot_general3A_17 = tpu.matmul %get3A_13, %get3A_16, %dot_general3A {dimension_numbers = #tpu.dot_dimension_numbers<[1], [0], [0], [1], [0, 0, 1, 1], [], []>, transpose_lhs_hint = false} : vector<8192x128xf32>, vector<128x32xf32>, vector<8192x32xf32> -> vector<8192x32xf32>
    %get3A_18 = arith.constant 0 : index
    %get3A_19 = arith.constant 0 : index
    %get3A_20 = vector.load %arg11[%get3A_18, %get3A_19] : memref<32x256xf32, #tpu.memory_space<vmem>>, vector<32x256xf32>
    %dot_general3A_21 = arith.constant dense<0.000000e+00> : vector<32x8192xf32>
    %dot_general3A_22 = tpu.matmul %get3A_20, %convert_element_type3A_10, %dot_general3A_21 {dimension_numbers = #tpu.dot_dimension_numbers<[1], [0], [0], [1], [0, 0, 1, 1], [], []>, transpose_lhs_hint = false} : vector<32x256xf32>, vector<256x8192xf32>, vector<32x8192xf32> -> vector<32x8192xf32>
    %transpose3A = tpu.transpose %dot_general3A_17, [1, 0] : vector<8192x32xf32> -> vector<32x8192xf32>
    %add3A = arith.addf %transpose3A, %dot_general3A_22 : vector<32x8192xf32>
    %get3A_23 = arith.constant 0 : index
    %get3A_24 = arith.constant 0 : index
    %get3A_25 = vector.load %arg6[%get3A_23, %get3A_24] : memref<32x1xf32, #tpu.memory_space<vmem>>, vector<32x1xf32>
    %add3A_26 = vector.broadcast %get3A_25 : vector<32x1xf32> to vector<32x8192xf32>
    %add3A_27 = arith.addf %add3A, %add3A_26 : vector<32x8192xf32>
    %exp3A = math.exp %add3A_27 : vector<32x8192xf32>
    %log1p3A = math.log1p %exp3A : vector<32x8192xf32>
    %get3A_28 = arith.constant 0 : index
    %get3A_29 = arith.constant 0 : index
    %get3A_30 = vector.load %arg7[%get3A_28, %get3A_29] : memref<1x32xf32, #tpu.memory_space<vmem>>, vector<1x32xf32>
    %dot_general3A_31 = arith.constant dense<0.000000e+00> : vector<1x8192xf32>
    %dot_general3A_32 = tpu.matmul %get3A_30, %log1p3A, %dot_general3A_31 {dimension_numbers = #tpu.dot_dimension_numbers<[1], [0], [0], [1], [0, 0, 1, 1], [], []>, transpose_lhs_hint = false} : vector<1x32xf32>, vector<32x8192xf32>, vector<1x8192xf32> -> vector<1x8192xf32>
    %get3A_33 = arith.constant 0 : index
    %get3A_34 = arith.constant 0 : index
    %get3A_35 = vector.load %arg8[%get3A_33, %get3A_34] : memref<1x1xf32, #tpu.memory_space<vmem>>, vector<1x1xf32>
    %add3A_36 = vector.broadcast %get3A_35 : vector<1x1xf32> to vector<1x8192xf32>
    %add3A_37 = arith.addf %dot_general3A_32, %add3A_36 : vector<1x8192xf32>
    %mul3A = arith.constant 8192 : i32
    %mul3A_38 = arith.muli %arg0, %mul3A : i32
    %iota3A_39 = tpu.iota {dimensions = array<i32: 1>} : vector<1x8192xi32>
    %add3A_40 = vector.broadcast %mul3A_38 : i32 to vector<1x8192xi32>
    %add3A_41 = arith.addi %add3A_40, %iota3A_39 : vector<1x8192xi32>
    %lt3A = arith.constant 100000 : i32
    %lt3A_42 = vector.broadcast %lt3A : i32 to vector<1x8192xi32>
    %lt3A_43 = arith.cmpi slt, %add3A_41, %lt3A_42 : vector<1x8192xi32>
    %jit3A = arith.constant 0xFF800000 : f32
    %broadcast_in_dim3A = vector.broadcast %jit3A : f32 to vector<1x8192xf32>
    %select_n3A = arith.select %lt3A_43, %add3A_37, %broadcast_in_dim3A : vector<1x8192xi1>, vector<1x8192xf32>
    %reduce_max3A = vector.shape_cast %select_n3A : vector<1x8192xf32> to vector<1x1x8192xf32>
    %reduce_max3A_44 = arith.constant dense<0xFF800000> : vector<1xf32>
    %reduce_max3A_45 = vector.multi_reduction <maximumf>, %reduce_max3A, %reduce_max3A_44 [1, 2] : vector<1x1x8192xf32> to vector<1xf32>
    %reduce_max3A_46 = vector.shape_cast %reduce_max3A_45 : vector<1xf32> to vector<1x1x1xf32>
    %reduce_max3A_47 = vector.extract %reduce_max3A_46[0, 0, 0] : f32 from vector<1x1x1xf32>
    %sub3A = vector.broadcast %reduce_max3A_47 : f32 to vector<1x8192xf32>
    %sub3A_48 = arith.subf %add3A_37, %sub3A : vector<1x8192xf32>
    %exp3A_49 = math.exp %sub3A_48 : vector<1x8192xf32>
    %jit3A_50 = arith.constant 0.000000e+00 : f32
    %broadcast_in_dim3A_51 = vector.broadcast %jit3A_50 : f32 to vector<1x8192xf32>
    %select_n3A_52 = arith.select %lt3A_43, %exp3A_49, %broadcast_in_dim3A_51 : vector<1x8192xi1>, vector<1x8192xf32>
    %jit3A_53 = arith.constant 0.000000e+00 : f32
    %broadcast_in_dim3A_54 = vector.shape_cast %select_n3A_52 : vector<1x8192xf32> to vector<1x8192xf32>
    %broadcast_in_dim3A_55 = vector.broadcast %broadcast_in_dim3A_54 : vector<1x8192xf32> to vector<256x8192xf32>
    %broadcast_in_dim3A_56 = vector.broadcast %jit3A_53 : f32 to vector<256x8192xf32>
    %select_n3A_57 = arith.select %eq3A_8, %broadcast_in_dim3A_55, %broadcast_in_dim3A_56 : vector<256x8192xi1>, vector<256x8192xf32>
    %reduce_sum3A = arith.constant dense<0.000000e+00> : vector<256xf32>
    %reduce_sum3A_58 = vector.multi_reduction <add>, %select_n3A_57, %reduce_sum3A [1] : vector<256x8192xf32> to vector<256xf32>
    %broadcast_in_dim3A_59 = vector.shape_cast %reduce_sum3A_58 : vector<256xf32> to vector<256x1xf32>
    %get3A_60 = arith.constant 0 : index
    %get3A_61 = arith.constant 0 : index
    %get3A_62 = memref.load %arg13[%get3A_60, %get3A_61] : memref<1x1xf32, #tpu.memory_space<smem>>
    %max3A = arith.maximumf %get3A_62, %reduce_max3A_47 : f32
    %sub3A_63 = arith.subf %get3A_62, %max3A : f32
    %exp3A_64 = math.exp %sub3A_63 : f32
    %sub3A_65 = arith.subf %reduce_max3A_47, %max3A : f32
    %exp3A_66 = math.exp %sub3A_65 : f32
    %get3A_67 = arith.constant 0 : index
    %get3A_68 = arith.constant 0 : index
    %get3A_69 = vector.load %arg12[%get3A_67, %get3A_68] : memref<256x1xf32, #tpu.memory_space<vmem>>, vector<256x1xf32>
    %mul3A_70 = vector.broadcast %exp3A_64 : f32 to vector<256x1xf32>
    %mul3A_71 = arith.mulf %get3A_69, %mul3A_70 : vector<256x1xf32>
    %mul3A_72 = vector.broadcast %exp3A_66 : f32 to vector<256x1xf32>
    %mul3A_73 = arith.mulf %broadcast_in_dim3A_59, %mul3A_72 : vector<256x1xf32>
    %add3A_74 = arith.addf %mul3A_71, %mul3A_73 : vector<256x1xf32>
    %swap3A = arith.constant 0 : index
    %swap3A_75 = arith.constant 0 : index
    %swap3A_76 = vector.load %arg12[%swap3A, %swap3A_75] : memref<256x1xf32, #tpu.memory_space<vmem>>, vector<256x1xf32>
    tpu.vector_store %arg12[%swap3A, %swap3A_75], %add3A_74 {strides = array<i32>} : memref<256x1xf32, #tpu.memory_space<vmem>>, vector<256x1xf32>,
    %swap3A_77 = arith.constant 0 : index
    %swap3A_78 = arith.constant 0 : index
    %swap3A_79 = memref.load %arg13[%swap3A_77, %swap3A_78] : memref<1x1xf32, #tpu.memory_space<smem>>
    memref.store %max3A, %arg13[%swap3A_77, %swap3A_78] : memref<1x1xf32, #tpu.memory_space<smem>>
    %exp3A_80 = math.exp %reduce_max3A_47 : f32
    %mul3A_81 = vector.broadcast %exp3A_80 : f32 to vector<1x8192xf32>
    %mul3A_82 = arith.mulf %select_n3A_52, %mul3A_81 : vector<1x8192xf32>
    %swap3A_83 = arith.constant 0 : index
    %swap3A_84 = arith.constant 0 : index
    %swap3A_85 = arith.constant 0 : index
    %swap3A_86 = vector.load %arg9[%swap3A_83, %swap3A_84, %swap3A_85] : memref<1x1x8192xf32, #tpu.memory_space<vmem>>, vector<1x1x8192xf32>
    %swap3A_87 = vector.shape_cast %swap3A_86 : vector<1x1x8192xf32> to vector<1x8192xf32>
    %swap3A_88 = vector.shape_cast %mul3A_82 : vector<1x8192xf32> to vector<1x1x8192xf32>
    tpu.vector_store %arg9[%swap3A_83, %swap3A_84, %swap3A_85], %swap3A_88 {strides = array<i32>} : memref<1x1x8192xf32, #tpu.memory_space<vmem>>, vector<1x1x8192xf32>,
    %eq3A_89 = arith.constant 12 : i32
    %eq3A_90 = arith.cmpi eq, %arg0, %eq3A_89 : i32
    %convert_element_type3A_91 = arith.extui %eq3A_90 : i1 to i32
    %cond3A_92 = arith.constant 0 : i32
    %cond3A_93 = arith.cmpi ne, %convert_element_type3A_91, %cond3A_92 : i32
    scf.if %cond3A_93 {
      %neg3A = arith.constant 0.000000e+00 : f32
      %neg3A_94 = arith.subf %neg3A, %max3A : f32
      %exp3A_95 = math.exp %neg3A_94 : f32
      %add3A_96 = arith.constant 1.000000e-16 : f32
      %add3A_97 = vector.broadcast %add3A_96 : f32 to vector<256x1xf32>
      %add3A_98 = arith.addf %add3A_74, %add3A_97 : vector<256x1xf32>
      %div3A = vector.broadcast %exp3A_95 : f32 to vector<256x1xf32>
      %div3A_99 = arith.divf %div3A, %add3A_98 : vector<256x1xf32>
      %swap3A_100 = arith.constant 0 : index
      %swap3A_101 = arith.constant 0 : index
      %swap3A_102 = vector.load %arg10[%swap3A_100, %swap3A_101] : memref<256x1xf32, #tpu.memory_space<vmem>>, vector<256x1xf32>
      tpu.vector_store %arg10[%swap3A_100, %swap3A_101], %div3A_99 {strides = array<i32>} : memref<256x1xf32, #tpu.memory_space<vmem>>, vector<256x1xf32>,
    } else {
    }
    return
  }
  func.func @transform_0(%arg0: i32) -> (i32, i32, i32) {
    %c0_i32 = arith.constant 0 : i32
    %c0_i32_0 = arith.constant 0 : i32
    %c0_i32_1 = arith.constant 0 : i32
    return %arg0, %c0_i32, %c0_i32_0 : i32, i32, i32
  }
  func.func @transform_1(%arg0: i32) -> (i32, i32) {
    %c0_i32 = arith.constant 0 : i32
    %c0_i32_0 = arith.constant 0 : i32
    return %arg0, %c0_i32 : i32, i32
  }
  func.func @transform_2(%arg0: i32) -> (i32, i32) {
    %c0_i32 = arith.constant 0 : i32
    %c0_i32_0 = arith.constant 0 : i32
    %c0_i32_1 = arith.constant 0 : i32
    return %c0_i32, %c0_i32_0 : i32, i32
  }
  func.func @transform_3(%arg0: i32) -> (i32, i32) {
    %c0_i32 = arith.constant 0 : i32
    %c0_i32_0 = arith.constant 0 : i32
    %c0_i32_1 = arith.constant 0 : i32
    return %c0_i32, %c0_i32_0 : i32, i32
  }
  func.func @transform_4(%arg0: i32) -> (i32, i32) {
    %c0_i32 = arith.constant 0 : i32
    %c0_i32_0 = arith.constant 0 : i32
    %c0_i32_1 = arith.constant 0 : i32
    return %c0_i32, %c0_i32_0 : i32, i32
  }
  func.func @transform_5(%arg0: i32) -> (i32, i32) {
    %c0_i32 = arith.constant 0 : i32
    %c0_i32_0 = arith.constant 0 : i32
    %c0_i32_1 = arith.constant 0 : i32
    return %c0_i32, %c0_i32_0 : i32, i32
  }
  func.func @transform_6(%arg0: i32) -> (i32, i32) {
    %c0_i32 = arith.constant 0 : i32
    %c0_i32_0 = arith.constant 0 : i32
    %c0_i32_1 = arith.constant 0 : i32
    return %c0_i32, %c0_i32_0 : i32, i32
  }
  func.func @transform_7(%arg0: i32) -> (i32, i32) {
    %c0_i32 = arith.constant 0 : i32
    %c0_i32_0 = arith.constant 0 : i32
    %c0_i32_1 = arith.constant 0 : i32
    return %c0_i32, %c0_i32_0 : i32, i32
  }
  func.func @transform_8(%arg0: i32) -> (i32, i32, i32) {
    %c0_i32 = arith.constant 0 : i32
    %c0_i32_0 = arith.constant 0 : i32
    %c0_i32_1 = arith.constant 0 : i32
    return %arg0, %c0_i32, %c0_i32_0 : i32, i32, i32
  }
  func.func @transform_9(%arg0: i32) -> (i32, i32) {
    %c0_i32 = arith.constant 0 : i32
    %c0_i32_0 = arith.constant 0 : i32
    %c0_i32_1 = arith.constant 0 : i32
    return %c0_i32, %c0_i32_0 : i32, i32
  }
}

</mosaic_0001>

<sc_bundles>
// kernel: kernel.4.cloned.1.call-start
scs
__scs_entry_jumppad:
0x0: {  	(pc) =	sbr.rel $0x88, $3  }
0x1: {  	(tag) =	ssettag $0x0;
	lr =	simm.s32 $0x1  }
0x2: {  	[smem:$0x3F9A] =	sst lr;
	_ =	strace $0xD0000000  }
0x3: {  	_ = 	snop  }
0x4: {  	_ = 	snop  }
0x5: {  	_ = 	snop  }
0x6: {  	_ = 	snop  }
0x7: {  	_ = 	snop  }
__scs_overlays_trampoline_lowered:
0x8: {  	[smem:$0x3FA9] =	sst s0  }
0x9: {  	[smem:$0x3FAA] =	sst s1  }
0xa: {  	[smem:$0x3FAB] =	sst s2  }
0xb: {  	[smem:$0x3FAC] =	sst s3  }
0xc: {  	[smem:$0x3FAD] =	sst s4  }
0xd: {  	[smem:$0x3FAE] =	sst s5  }
0xe: {  	[smem:$0x3FAF] =	sst s6  }
0xf: {  	[smem:$0x3FB0] =	sst s7  }
0x10: {  	[smem:$0x3FB1] =	sst s8  }
0x11: {  	[smem:$0x3FB2] =	sst s9;
	s0 =	simm.s32 @!p0 $0x0  }
0x12: {  	s1 =	sld [smem:$0x3F98];
	s0 =	simm.s32 @p0 $0x1  }
0x13: {  	[smem:$0x3FB3] =	sst s0;
	s0 =	simm.s32 @!p1 $0x0  }
0x14: {  	s2 =	sld [smem:$0x3F97];
	s0 =	simm.s32 @p1 $0x1  }
0x15: {  	[smem:$0x3FB4] =	sst s0;
	s0 =	simm.s32 @!p2 $0x0  }
0x16: {  	s3 =	sld [smem:$0x3FDB];
	s0 =	simm.s32 @p2 $0x1  }
0x17: {  	s4 =	simm.s32 $0x1BF5;
	[smem:$0x3FB6] =	sst s0  }
0x18: {  	s0 =	sld [smem:$0x3F99];
	_ =	swait.ge [sflag:s4], $0x0  }
0x19: {  	s7 =	sld [smem:$0x3F9A]  }
0x1a: {  	s8 =	sadd.s32 $0xFFFFE003, lr  }
0x1b: {  	s9 =	sadd.s32 $0xFFFFFEF7, lr;
	s5 =	simm.s32 $0xFFFFFFFF;
	p2 =	slt.u32 s8, $0xFFFFF086  }
0x1c: {  	p1 =	slt.u32 s9, $0xF7A;
	s5 =	simm.s32 @!p2 $0x0  }
0x1d: {  	s5 =	simm.s32 @p1 $0x1;
	p0 =	seq.s32 s7, s2  }
0x1e: {  	s7 =	smul.u32 @!p0 $0xF7A, s2;
	p2 =	seq.s32 @!p0 s5, $0x0  }
0x1f: {  	s9 =	smul.u32 $0xF7A, s1;
	s8 =	simm.s32 @!p0 $0x1BF5;
	p2 =	por !p2, p0  }
0x20: {  	[sflag:s8] =	ssyncset.s32 @!p0 $0xFFFFF086;
	s6 =	sadd.s32 @!p0 s3, s7;
	s7 =	simm.s32 @!p0 $0x108  }
0x21: {  	s3 =	sadd.s32 s3, s9;
	s6 =	sadd.s32 @!p0 $0x88, s6;
	s7 =	simm.s32 @p2 $0x1082  }
0x22: {  	[simem:s7], [sflag:s8] =	dma.local @!p0 [hbm:s6], $0xF7A  }
0x23: {  	s9 =	sor.u32 $0xD0000000, s2;
	s6 =	simm.s32 $0x108;
	_ =	swait.ge @!p0 [sflag:s8], $0x0  }
0x24: {  	s3 =	sadd.s32 $0x88, s3;
	s6 =	simm.s32 @!p1 $0x1082;
	[sflag:s4] =	ssyncset.s32 $0xFFFFF086  }
0x25: {  	[simem:s6], [sflag:s4] =	dma.local [hbm:s3], $0xF7A  }
0x26: {  	[smem:$0x3F9A] =	sst s1;
	(tag) =	ssettag s2;
	_ =	strace s9  }
0x27: {  	s1 =	sld [smem:$0x3FAA]  }
0x28: {  	s2 =	sld [smem:$0x3FAB]  }
0x29: {  	s4 =	sld [smem:$0x3FAD]  }
0x2a: {  	p0 =	seq.s32 s5, $0x0;
	s5 =	sld [smem:$0x3FAE]  }
0x2b: {  	s6 =	sld [smem:$0x3FAF]  }
0x2c: {  	s7 =	sld [smem:$0x3FB0]  }
0x2d: {  	s3 =	simm.s32 $0x108;
	s8 =	sld [smem:$0x3FB1]  }
0x2e: {  	s3 =	simm.s32 @!p0 $0x1082;
	s9 =	sld [smem:$0x3FB2]  }
0x2f: {  	lr =	sadd.s32 s0, s3;
	s0 =	sld [smem:$0x3FA9]  }
0x30: {  	s3 =	sld [smem:$0x3FAC]  }
0x31: {  	[smem:$0x3FB5] =	sst s10  }
0x32: {  	s10 =	sld [smem:$0x3FB3];
	_ =	sdelay $0x3  }
0x33: {  	p0 =	seq.s32 s10, $0x1;
	s10 =	sld [smem:$0x3FB5];
	_ =	sdelay $0x3  }
0x34: {  	[smem:$0x3FB5] =	sst s10  }
0x35: {  	s10 =	sld [smem:$0x3FB4];
	_ =	sdelay $0x3  }
0x36: {  	p1 =	seq.s32 s10, $0x1;
	s10 =	sld [smem:$0x3FB5];
	_ =	sdelay $0x3  }
0x37: {  	[smem:$0x3FB5] =	sst s10  }
0x38: {  	s10 =	sld [smem:$0x3FB6]  }
0x39: {  	_ = 	snop;
	(pc) =	sbr.ind lr, $3  }
0x3a: {  	_ = 	snop  }
0x3b: {  	_ = 	snop  }
0x3c: {  	p2 =	seq.s32 s10, $0x1;
	s10 =	sld [smem:$0x3FB5]  }
0x3d: {  	_ =	shalt  }
0x3e: {  	_ =	shalt  }
0x3f: {  	_ =	shalt  }
0x40: {  	_ =	shalt  }
0x41: {  	_ =	shalt  }
0x42: {  	_ =	shalt  }
0x43: {  	_ =	shalt  }
0x44: {  	_ =	shalt  }
0x45: {  	_ =	shalt  }
0x46: {  	_ =	shalt  }
0x47: {  	_ =	shalt  }
0x48: {  	_ =	shalt  }
0x49: {  	_ =	shalt  }
0x4a: {  	_ =	shalt  }
0x4b: {  	_ =	shalt  }
0x4c: {  	_ =	shalt  }
0x4d: {  	_ =	shalt  }
0x4e: {  	_ =	shalt  }
0x4f: {  	_ =	shalt  }
0x50: {  	_ =	shalt  }
0x51: {  	_ =	shalt  }
0x52: {  	_ =	shalt  }
0x53: {  	_ =	shalt  }
0x54: {  	_ =	shalt  }
0x55: {  	_ =	shalt  }
0x56: {  	_ =	shalt  }
0x57: {  	_ =	shalt  }
0x58: {  	_ =	shalt  }
0x59: {  	_ =	shalt  }
0x5a: {  	_ =	shalt  }
0x5b: {  	_ =	shalt  }
0x5c: {  	_ =	shalt  }
0x5d: {  	_ =	shalt  }
0x5e: {  	_ =	shalt  }
0x5f: {  	_ =	shalt  }
0x60: {  	_ =	shalt  }
0x61: {  	_ =	shalt  }
0x62: {  	_ =	shalt  }
0x63: {  	_ =	shalt  }
0x64: {  	_ =	shalt  }
0x65: {  	_ =	shalt  }
0x66: {  	_ =	shalt  }
0x67: {  	_ =	shalt  }
0x68: {  	_ =	shalt  }
0x69: {  	_ =	shalt  }
0x6a: {  	_ =	shalt  }
0x6b: {  	_ =	shalt  }
0x6c: {  	_ =	shalt  }
0x6d: {  	_ =	shalt  }
0x6e: {  	_ =	shalt  }
0x6f: {  	_ =	shalt  }
0x70: {  	_ =	shalt  }
0x71: {  	_ =	shalt  }
0x72: {  	_ =	shalt  }
0x73: {  	_ =	shalt  }
0x74: {  	_ =	shalt  }
0x75: {  	_ =	shalt  }
0x76: {  	_ =	shalt  }
0x77: {  	_ =	shalt  }
0x78: {  	_ =	shalt  }
0x79: {  	_ =	shalt  }
0x7a: {  	_ =	shalt  }
0x7b: {  	_ =	shalt  }
0x7c: {  	_ =	shalt  }
0x7d: {  	_ =	shalt  }
0x7e: {  	_ =	shalt  }
0x7f: {  	_ =	shalt  }
0x80: {  	_ =	shalt  }
0x81: {  	_ =	shalt  }
0x82: {  	_ =	shalt  }
0x83: {  	_ =	shalt  }
0x84: {  	_ =	shalt  }
0x85: {  	_ =	shalt  }
0x86: {  	_ =	shalt  }
0x87: {  	_ =	shalt  }
.Lfunc_end0:
.L_simem_size_0:
called_computation_lowered:
.L_overlay_start_0:
0x88: {  	s2 =	sld [smem:$0x3FD9]  }
0x89: {  	s3 =	sld [smem:$0x3FFE];
	_ =	sdelay $0x1  }
0x8a: {  	s1 =	srdreg.scid  }
0x8b: {  	s0 =	sand.u32 $0x1, s1  }
0x8c: {  	s17 =	sshll.u32 s0, $0xA;
	s2 =	sadd.s32 s3, s2  }
0x8d: {  	s2 =	sadd.s32 s2, s17  }
0x8e: {  	[smem:$0x3FC1] =	sst s2  }
0x8f: {  	_ = 	snop  }
0x90: {  	s2 =	sld [smem:$0x3FD0];
	(tm) =	ssettm $0x1  }
0x91: {  	s18 =	sld [smem:$0x3FFB];
	_ =	sdelay $0x3  }
0x92: {  	_ =	strace s18  }
0x93: {  	s3 =	sld [smem:$0x3FFC];
	_ =	sdelay $0x3  }
0x94: {  	_ =	strace s3  }
0x95: {  	s3 =	sld [smem:$0x3FFD];
	_ =	sdelay $0x3  }
0x96: {  	_ =	strace s3  }
0x97: {  	_ =	strace $0x8FFFFFFF  }
0x98: {  	s19 =	sld [smem:$0x3FDB];
	_ =	sdelay $0x1  }
0x99: {  	s4 =	simm.s32 $_scs_section_size  }
0x9a: {  	s5 =	simm.s32 $_size__tile_overlayer_lowered;
	s6 =	simm.s32 $_tile_overlayer_lowered  }
0x9b: {  	s22 =	simm.s32 $0x1BFF;
	s21 =	sshll.u32 s6, $0x1;
	s3 =	sadd.s32 s4, s19  }
0x9c: {  	s7 =	simm.s32 $0x0;
	s20 =	sshll.u32 s5, $0x1;
	s5 =	sadd.s32 s21, s3  }
0x9d: {  	[timem:s7], [sflag:s22] =	dma.local [hbm:s5], s20  }
0x9e: {  	_ =	swait.ge [sflag:s22], s20  }
0x9f: {  	s4 =	ssub.s32 $0x0, s20;
	[sflag:s22] =	ssyncset.done $0x0  }
0xa0: {  	[sflag:s22] =	ssyncadd.s32 s4;
	_ =	sdelay $0x1  }
0xa1: {  	s23 =	simm.s32 $0x1B8B  }
0xa2: {  	_ =	swait.ge [sflag:s23], $0x1  }
0xa3: {  	[sflag:s23] =	ssyncset.done $0x0  }
0xa4: {  	s25 =	simm.s32 $0x1B8E;
	s24 =	sld [smem:$0x3FFE];
	[sflag:s23] =	ssyncadd.s32 $0xFFFFFFFF  }
0xa5: {  	s26 =	simm.s32 $execute0_lowered;
	[smem:$0x3FD2] =	sst s25  }
0xa6: {  	s5 =	sshll.u32 s26, $0x1;
	_ =	strace $0x80000046;
	[dreg:$0x1] =	wrdreg $0xFFFFFFFF  }
0xa7: {  	s28 =	simm.s32 $_size_execute0_lowered;
	s3 =	sadd.s32 s3, s5;
	[dreg:$0x0] =	wrdreg $0x0  }
0xa8: {  	s5 =	sshll.u32 s28, $0x1;
	[dreg:$0x2] =	wrdreg s3  }
0xa9: {  	[dreg:$0x3] =	wrdreg s5  }
0xaa: {  	[dreg:$0x4] =	wrdreg $0xC0  }
0xab: {  	_ =	task [dreg:s7], $0x5FFFF  }
0xac: {  	[dreg:$0x1] =	wrdreg $0xFFFFFFFF  }
0xad: {  	[dreg:$0x0] =	wrdreg $0x60  }
0xae: {  	[dreg:$0x2] =	wrdreg s24  }
0xaf: {  	[dreg:$0x3] =	wrdreg s2  }
0xb0: {  	[dreg:$0x4] =	wrdreg $0x9  }
0xb1: {  	_ =	task.clear_ibuf [dreg:s7], $0x5FFFF;
	_ =	strace $0x90000046  }
0xb2: {  	s29 =	simm.s32 $0x9;
	_ =	strace $0x80000048  }
0xb3: {  	_ =	swait.ge [sflag:s29], $0x1  }
0xb4: {  	[sflag:s29] =	ssyncadd.s32 $0xFFFFFFFF  }
0xb5: {  	_ =	strace $0x90000048  }
0xb6: {  	_ =	sfence  }
0xb7: {  	s30 =	sld [smem:$0x0];
	_ =	sdelay $0x2  }
0xb8: {  	s31 =	sshll.u32 s1, $0xD;
	s1 =	sshrl.u32 s1, $0x2  }
0xb9: {  	s3 =	sand.u32 $0x4000, s31;
	s1 =	sadd.s32 s1, s30  }
0xba: {  	s0 =	sor.u32 s3, s0;
	s1 =	sshll.u32 s1, $0x11  }
0xbb: {  	s0 =	sor.u32 s1, s0  }
0xbc: {  	s0 =	sadd.s32 $0x8F2B, s0  }
0xbd: {  	[sflag:s0] =	ssyncadd.remote.s32 $0x1  }
0xbe: {  	_ =	sfence.sel $0xFFFF  }
0xbf: {  	[dreg:$0x0] =	wrdreg $0xFFFFFFFF;
	(pc) =	sbr.abs _section_cstart, $3  }
0xc0: {  	[dreg:$0x1] =	wrdreg $0xFFFFFFFF  }
0xc1: {  	_ =	task.clear_ibuf [dreg:s7], $0x2FFFF;
	_ =	strace $0x9FFFFFFF  }
0xc2: {  	(tm) =	ssettm $0x7FFFFFFF  }
0xc3: {  	_ =	shalt  }
tec
execute0_lowered:
.L_overlay_start_1:
0x0: {  	(tag) =	ssettag $0x1  }
0x1: {  	s1 =	srdreg.scid;
	s5 =	rddreg [dreg:$0x0]  }
0x2: {  	s0 =	stileid.u32;
	s2 =	rddreg [dreg:$0x1];
	s3 =	simm.s32 $0x0  }
0x3: {  	s8 =	simm.s32 $0xD00;
	s9 =	simm.s32 $0x2700;
	s10 =	simm.s32 $0x1  }
0x4: {  	s11 =	simm.s32 $0x1A00;
	s4 =	sand.u32 $0x1, s1;
	s30 =	sshll.u32 s0, $0x1  }
0x5: {  	s12 =	simm.s32 $0x2;
	s1 =	sor.u32 s4, s30;
	s4 =	ssub.s32 $0x2, s4  }
0x6: {  	[smem:$0x7FF] =	sst s3;
	s6 =	smul.u32 $0x1A0, s1;
	s31 =	sshrl.u32 s4, $0x1  }
0x7: {  	s13 =	simm.s32 $0x0;
	s1 =	rddreg [dreg:$0x2];
	s7 =	ssub.s32 s4, s31  }
0x8: {  	_ =	strace $0x80000047;
	s6 =	sadd.s32 s6, s5;
	s7 =	smax.u32 s7, $0x1  }
0x9: {  	s4 =	sadd.s32 $0x3E00, s6;
	s5 =	sadd.s32 $0xA00, s6;
	s6 =	sadd.s32 $0x7200, s6  }
.LBB2_1:
0xa: {  	[tilespmem:s3], [sflag:$0x1] =	stream.linear.gather [hbm4b:s4+s3], $0xD00, $0x38;
	[tilespmem:$0x2800] =	vst v63  }
0xb: {  	_ = 	snop  }
0xc: {  	[tilespmem:s8], [sflag:$0x1] =	stream.linear.gather [hbm4b:s5+s3], $0xD00, $0x38;
	[tilespmem:$0x2800] =	vst v63  }
0xd: {  	_ = 	snop  }
0xe: {  	[tilespmem:s9], [sflag:$0x1] =	stream.linear.gather [hbm4b:s2+s3], $0x100, $0x38;
	[tilespmem:$0x2800] =	vst v63  }
0xf: {  	_ =	swait.ge [sflag:s10], $0xD00  }
0x10: {  	[sflag:s10] =	ssyncset.done $0x0  }
0x11: {  	[sflag:s10] =	ssyncadd.s32 $0xFFFFF300  }
0x12: {  	_ =	swait.ge [sflag:s10], $0xD00  }
0x13: {  	[sflag:s10] =	ssyncset.done $0x0  }
0x14: {  	[sflag:s10] =	ssyncadd.s32 $0xFFFFF300  }
0x15: {  	_ =	swait.ge [sflag:s10], $0x100  }
0x16: {  	[sflag:s10] =	ssyncset.done $0x0  }
0x17: {  	s14 =	simm.s32 $0x0;
	[sflag:s10] =	ssyncadd.s32 $0xFFFFFF00  }
0x18: {  	v0 =	vld [tilespmem:s14+$0xD00];
	_ =	sdelay $0x5  }
0x19: {  	v1 =	vld [tilespmem:s14+$0x0]  }
0x1a: {  	v2 =	vld [tilespmem:s14+$0xD10]  }
0x1b: {  	v0 =	vld.idx.msk [tilespmem:v0+s9+$0x0], $0xffff;
	_ =	sdelay $0x4  }
0x1c: {  	v0 =	vmul.f32 v1, v0;
	_ =	sdelay $0x1  }
0x1d: {  	[tilespmem:s14+$0x1A00] =	vst v0;
	v0 =	vld [tilespmem:s14+$0x10]  }
0x1e: {  	v1 =	vld.idx.msk [tilespmem:v2+s9+$0x0], $0xffff  }
0x1f: {  	v2 =	vld [tilespmem:s14+$0xD20];
	_ =	sdelay $0x4  }
0x20: {  	v0 =	vmul.f32 v0, v1;
	_ =	sdelay $0x1  }
0x21: {  	[tilespmem:s14+$0x1A10] =	vst v0;
	v0 =	vld [tilespmem:s14+$0x20]  }
0x22: {  	v1 =	vld.idx.msk [tilespmem:v2+s9+$0x0], $0xffff  }
0x23: {  	v2 =	vld [tilespmem:s14+$0xD30];
	_ =	sdelay $0x4  }
0x24: {  	v0 =	vmul.f32 v0, v1;
	_ =	sdelay $0x1  }
0x25: {  	[tilespmem:s14+$0x1A20] =	vst v0;
	v0 =	vld [tilespmem:s14+$0x30]  }
0x26: {  	v1 =	vld.idx.msk [tilespmem:v2+s9+$0x0], $0xffff  }
0x27: {  	v2 =	vld [tilespmem:s14+$0xD40];
	_ =	sdelay $0x4  }
0x28: {  	v0 =	vmul.f32 v0, v1;
	_ =	sdelay $0x1  }
0x29: {  	[tilespmem:s14+$0x1A30] =	vst v0;
	v0 =	vld [tilespmem:s14+$0x40]  }
0x2a: {  	v1 =	vld.idx.msk [tilespmem:v2+s9+$0x0], $0xffff  }
0x2b: {  	v2 =	vld [tilespmem:s14+$0xD50];
	_ =	sdelay $0x4  }
0x2c: {  	v0 =	vmul.f32 v0, v1;
	_ =	sdelay $0x1  }
0x2d: {  	[tilespmem:s14+$0x1A40] =	vst v0;
	v0 =	vld [tilespmem:s14+$0x50]  }
0x2e: {  	v1 =	vld.idx.msk [tilespmem:v2+s9+$0x0], $0xffff  }
0x2f: {  	v2 =	vld [tilespmem:s14+$0xD60];
	_ =	sdelay $0x4  }
0x30: {  	v0 =	vmul.f32 v0, v1;
	_ =	sdelay $0x1  }
0x31: {  	[tilespmem:s14+$0x1A50] =	vst v0;
	v0 =	vld [tilespmem:s14+$0x60]  }
0x32: {  	v1 =	vld.idx.msk [tilespmem:v2+s9+$0x0], $0xffff  }
0x33: {  	v2 =	vld [tilespmem:s14+$0xD70];
	_ =	sdelay $0x4  }
0x34: {  	v0 =	vmul.f32 v0, v1;
	_ =	sdelay $0x1  }
0x35: {  	[tilespmem:s14+$0x1A60] =	vst v0;
	v0 =	vld [tilespmem:s14+$0x70]  }
0x36: {  	s16 =	simm.s32 $0x80;
	s15 =	simm.s32 $0x400;
	v1 =	vld.idx.msk [tilespmem:v2+s9+$0x0], $0xffff  }
.LBB2_2:
0x37: {  	p0 =	sne.s32 s15, $0x3200;
	v2 =	vld [tilespmem:s16+$0xD00];
	_ =	sdelay $0x4  }
0x38: {  	v0 =	vmul.f32 v0, v1;
	_ =	sdelay $0x1  }
0x39: {  	v1 =	vld [tilespmem:s16+$0x0];
	[tilespmem:s14+$0x1A70] =	vst v0;
	s14 =	smov.u32 s16  }
0x3a: {  	v0 =	vld.idx.msk [tilespmem:v2+s9+$0x0], $0xffff  }
0x3b: {  	v2 =	vld [tilespmem:s14+$0xD10];
	_ =	sdelay $0x4  }
0x3c: {  	v0 =	vmul.f32 v1, v0;
	_ =	sdelay $0x1  }
0x3d: {  	[tilespmem:s14+$0x1A00] =	vst v0;
	v0 =	vld [tilespmem:s14+$0x10]  }
0x3e: {  	v1 =	vld.idx.msk [tilespmem:v2+s9+$0x0], $0xffff  }
0x3f: {  	v2 =	vld [tilespmem:s14+$0xD20];
	_ =	sdelay $0x4  }
0x40: {  	v0 =	vmul.f32 v0, v1;
	_ =	sdelay $0x1  }
0x41: {  	[tilespmem:s14+$0x1A10] =	vst v0;
	v0 =	vld [tilespmem:s14+$0x20]  }
0x42: {  	v1 =	vld.idx.msk [tilespmem:v2+s9+$0x0], $0xffff  }
0x43: {  	v2 =	vld [tilespmem:s14+$0xD30];
	_ =	sdelay $0x4  }
0x44: {  	v0 =	vmul.f32 v0, v1;
	_ =	sdelay $0x1  }
0x45: {  	[tilespmem:s14+$0x1A20] =	vst v0;
	v0 =	vld [tilespmem:s14+$0x30]  }
0x46: {  	v1 =	vld.idx.msk [tilespmem:v2+s9+$0x0], $0xffff  }
0x47: {  	v2 =	vld [tilespmem:s14+$0xD40];
	_ =	sdelay $0x4  }
0x48: {  	v0 =	vmul.f32 v0, v1;
	_ =	sdelay $0x1  }
0x49: {  	[tilespmem:s14+$0x1A30] =	vst v0;
	v0 =	vld [tilespmem:s14+$0x40]  }
0x4a: {  	v1 =	vld.idx.msk [tilespmem:v2+s9+$0x0], $0xffff  }
0x4b: {  	v2 =	vld [tilespmem:s14+$0xD50];
	_ =	sdelay $0x4  }
0x4c: {  	v0 =	vmul.f32 v0, v1;
	_ =	sdelay $0x1  }
0x4d: {  	[tilespmem:s14+$0x1A40] =	vst v0;
	v0 =	vld [tilespmem:s14+$0x50]  }
0x4e: {  	v1 =	vld.idx.msk [tilespmem:v2+s9+$0x0], $0xffff  }
0x4f: {  	v2 =	vld [tilespmem:s14+$0xD60];
	_ =	sdelay $0x4  }
0x50: {  	v0 =	vmul.f32 v0, v1;
	_ =	sdelay $0x1  }
0x51: {  	[tilespmem:s14+$0x1A50] =	vst v0;
	v0 =	vld [tilespmem:s14+$0x60]  }
0x52: {  	v1 =	vld.idx.msk [tilespmem:v2+s9+$0x0], $0xffff  }
0x53: {  	v2 =	vld [tilespmem:s14+$0xD70];
	_ =	sdelay $0x3  }
.Ltmp0:
0x54: {  	(pc) =	sbr.rel @p0 .LBB2_2-.Ltmp0, $3  }
0x55: {  	v0 =	vmul.f32 v0, v1;
	_ =	sdelay $0x1  }
0x56: {  	[tilespmem:s14+$0x1A60] =	vst v0;
	v0 =	vld [tilespmem:s14+$0x70]  }
0x57: {  	s16 =	sshra.s32 s15, $0x2;
	s15 =	sadd.s32 $0x200, s15;
	v1 =	vld.idx.msk [tilespmem:v2+s9+$0x0], $0xffff  }
0x58: {  	v2 =	vld [tilespmem:s16+$0xD00];
	_ =	sdelay $0x3  }
0x59: {  	v0 =	vmul.f32 v0, v1;
	_ =	sdelay $0x1  }
0x5a: {  	v42 =	vld [tilespmem:s16+$0x0];
	[tilespmem:s14+$0x1A70] =	vst v0  }
0x5b: {  	v43 =	vld [tilespmem:s16+$0xD10]  }
0x5c: {  	v0 =	vld.idx.msk [tilespmem:v2+s9+$0x0], $0xffff;
	_ =	sdelay $0x4  }
0x5d: {  	v0 =	vmul.f32 v42, v0  }
0x5e: {  	v44 =	vld [tilespmem:s16+$0x10]  }
0x5f: {  	v46 =	vld [tilespmem:s16+$0xD20];
	[tilespmem:s16+$0x1A00] =	vst v0  }
0x60: {  	v45 =	vld.idx.msk [tilespmem:v43+s9+$0x0], $0xffff;
	_ =	sdelay $0x4  }
0x61: {  	v0 =	vmul.f32 v44, v45  }
0x62: {  	v47 =	vld [tilespmem:s16+$0x20]  }
0x63: {  	v49 =	vld [tilespmem:s16+$0xD30];
	[tilespmem:s16+$0x1A10] =	vst v0  }
0x64: {  	v48 =	vld.idx.msk [tilespmem:v46+s9+$0x0], $0xffff;
	_ =	sdelay $0x4  }
0x65: {  	v0 =	vmul.f32 v47, v48  }
0x66: {  	v50 =	vld [tilespmem:s16+$0x30]  }
0x67: {  	v52 =	vld [tilespmem:s16+$0xD40];
	[tilespmem:s16+$0x1A20] =	vst v0  }
0x68: {  	v51 =	vld.idx.msk [tilespmem:v49+s9+$0x0], $0xffff;
	_ =	sdelay $0x4  }
0x69: {  	v0 =	vmul.f32 v50, v51  }
0x6a: {  	v53 =	vld [tilespmem:s16+$0x40]  }
0x6b: {  	v55 =	vld [tilespmem:s16+$0xD50];
	[tilespmem:s16+$0x1A30] =	vst v0  }
0x6c: {  	v54 =	vld.idx.msk [tilespmem:v52+s9+$0x0], $0xffff;
	_ =	sdelay $0x4  }
0x6d: {  	v0 =	vmul.f32 v53, v54  }
0x6e: {  	v56 =	vld [tilespmem:s16+$0x50]  }
0x6f: {  	v58 =	vld [tilespmem:s16+$0xD60];
	[tilespmem:s16+$0x1A40] =	vst v0  }
0x70: {  	v57 =	vld.idx.msk [tilespmem:v55+s9+$0x0], $0xffff;
	_ =	sdelay $0x4  }
0x71: {  	v0 =	vmul.f32 v56, v57  }
0x72: {  	v59 =	vld [tilespmem:s16+$0x60]  }
0x73: {  	v61 =	vld [tilespmem:s16+$0xD70];
	[tilespmem:s16+$0x1A50] =	vst v0  }
0x74: {  	v60 =	vld.idx.msk [tilespmem:v58+s9+$0x0], $0xffff;
	_ =	sdelay $0x4  }
0x75: {  	v0 =	vmul.f32 v59, v60;
	_ =	sdelay $0x1  }
0x76: {  	v62 =	vld [tilespmem:s16+$0x70];
	[tilespmem:s16+$0x1A60] =	vst v0  }
0x77: {  	v63 =	vld.idx.msk [tilespmem:v61+s9+$0x0], $0xffff;
	_ =	sdelay $0x4  }
0x78: {  	s13 =	sadd.s32 $0x1, s13;
	v0 =	vmul.f32 v62, v63  }
0x79: {  	p0 =	sne.s32 s13, s7  }
.Ltmp1:
0x7a: {  	[tilespmem:s16+$0x1A70] =	vst v0;
	(pc) =	sbr.rel @p0 .LBB2_1-.Ltmp1, $4  }
0x7b: {  	[hbm4b:s6+s3] =	stream.linear.scatter [tilespmem:s11], [sflag:$0x2], $0xD00, $0x38;
	[tilespmem:$0x2800] =	vst v63  }
0x7c: {  	_ =	swait.ge [sflag:s12], $0xD00  }
0x7d: {  	[sflag:s12] =	ssyncset.done $0x0  }
0x7e: {  	[sflag:s12] =	ssyncadd.s32 $0xFFFFF300  }
0x7f: {  	_ =	sfence.sel $0x180000  }
0x80: {  	[bflag:$0x0] =	sbarrier.arrive $0xFFFF  }
0x81: {  	p0 =	sne.s32 s0, $0x0;
	_ =	strace $0x90000047  }
0x82: {  	s0 =	sadd.s32 @!p0 $0x100000, s1;
	[bflag:$0x2] =	sbarrier.arrive $0xFFFF  }
0x83: {  	[sflag:s0] =	ssyncadd.tile.s32 @!p0 $0x1;
	_ =	shalt  }
.Lfunc_end2:
_tile_overlayer_lowered:
.L_overlay_start_2:
0x84: {  	(tag) =	ssettag $0x2  }
0x85: {  	s0 =	rddreg [dreg:$0x0];
	s2 =	stileid.u32  }
0x86: {  	s1 =	rddreg [dreg:$0x1];
	p0 =	sne.s32 s2, $0x0  }
0x87: {  	s3 =	rddreg [dreg:$0x2];
	[bflag:$0x3] =	sbarrier.arrive $0xFFFF;
	s2 =	simm.s32 @!p0 $0x1C02  }
0x88: {  	[timem:s3], [sflag:s2] =	dma.local @!p0 [hbm:s0], s1  }
0x89: {  	s0 =	simm.s32 @!p0 $0x2  }
0x8a: {  	_ =	swait.ge @!p0 [sflag:s0], s1  }
0x8b: {  	s1 =	ssub.s32 @!p0 $0x0, s1;
	[sflag:s0] =	ssyncset.done @!p0 $0x0  }
0x8c: {  	[sflag:s0] =	ssyncadd.s32 @!p0 s1  }
0x8d: {  	[bflag:$0x3] =	sbarrier.arrive $0xFFFF  }
0x8e: {  	_ =	shalt  }

</sc_bundles>
